<compile_context>
chip_gen: v7x
topology: tpu7x:2x2x1
jax: 0.10.2.dev20260603
libtpu: 0.0.44.dev20260713+nightly
codegen_flags: <defaults>
</compile_context>

<pallas_src>
import jax
import jax.numpy as jnp
from jax import lax
from jax.experimental import pallas as pl
from jax.experimental.pallas import tpu as pltpu
from jax.experimental.pallas import tpu_sc as plsc

_NC, _NS = 2, 16
_NW = _NC * _NS
_ROWS = 256


def _sc_body(w_hbm, o_hbm, w_v, buf):
    L, C = w_hbm.shape
    B = o_hbm.shape[1]
    rows_per_w = B // _NW
    n_chunks = rows_per_w // _ROWS
    wid = lax.axis_index("s") * _NC + lax.axis_index("c")
    base = wid * rows_per_w

    pltpu.sync_copy(w_hbm, w_v)

    def slab(l, carry):
        vs = [w_v[l, pl.ds(16 * j, 16)] for j in range(C // 16)]

        def fill(r, c):
            for j in range(C // 16):
                buf[r, pl.ds(16 * j, 16)] = vs[j]
            return c

        lax.fori_loop(0, _ROWS, fill, 0)
        for k in range(n_chunks):
            pltpu.sync_copy(buf, o_hbm.at[l, pl.ds(base + k * _ROWS, _ROWS)])
        return carry

    lax.fori_loop(0, L, slab, 0)


def kernel(x, pos_embed_weight):
    B = x.shape[0]
    L, C = pos_embed_weight.shape
    mesh = plsc.VectorSubcoreMesh(
        core_axis_name="c", subcore_axis_name="s", num_cores=_NC, num_subcores=_NS
    )
    sc_call = pl.kernel(
        _sc_body,
        out_type=jax.ShapeDtypeStruct((L, B, C), jnp.float32),
        mesh=mesh,
        scratch_types=[
            pltpu.VMEM((L, C), jnp.float32),
            pltpu.VMEM((_ROWS, C), jnp.float32),
        ],
    )
    return jnp.transpose(sc_call(pos_embed_weight), (1, 2, 0))

# --- scband reference (transcript-rebuilt; emitter-appended) ---
"""Pipeline reference for scband-position-embedding-learned-45157286150838 (READ-ONLY COPY).

The authoritative reference and input builder live on the scoring server;
editing this copy changes nothing except your own understanding.
"""

import jax, jax.numpy as jnp
import numpy as np


def setup_inputs(seed: int = 0) -> dict:
    key = jax.random.key(seed)
    k_x, k_w = jax.random.split(key)
    B, L = 16384, 50
    num_pos_feats = 256
    x = jax.random.normal(k_x, (B, L), dtype=jnp.float32)
    # nn.Embedding(50, num_pos_feats) with uniform_(0,1) init
    pos_embed_weight = jax.random.uniform(k_w, (50, num_pos_feats), dtype=jnp.float32)
    return {"x": x, "pos_embed_weight": pos_embed_weight}


def reference(x, pos_embed_weight):
    B = x.shape[0]
    length = x.shape[1]
    i = jnp.arange(length)
    pos_emb = jnp.take(pos_embed_weight, i, axis=0)           # [L, C]
    pos = jnp.broadcast_to(pos_emb[None, :, :], (B, length, pos_emb.shape[1]))  # [B, L, C]
    pos = jnp.transpose(pos, (0, 2, 1))                        # [B, C, L]
    return pos

if __name__ == "__main__":
    import jax
    _d = setup_inputs()
    print(jax.jit(kernel)(*tuple(_d.values())))

</pallas_src>

<mosaic_0001>
#map = affine_map<(d0, d1) -> (0, 0)>
#map1 = affine_map<(d0, d1) -> (0, 0, 0)>
module attributes {stable_mosaic.version = 14 : i64} {
  func.func @_sc_body(%arg0: i32, %arg1: i32, %arg2: memref<50x256xf32, #tpu.memory_space<hbm>>, %arg3: memref<50x16384x256xf32, #tpu.memory_space<hbm>>, %arg4: memref<50x256xf32, #tpu.memory_space<vmem>>, %arg5: memref<256x256xf32, #tpu.memory_space<vmem>>) attributes {dimension_semantics = [#tpu.dimension_semantics<core_parallel>, #tpu.dimension_semantics<subcore_parallel>], iteration_bounds = array<i64: 2, 16>, scalar_prefetch = 0 : i64, scratch_operands = 2 : i64, tpu.core_type = #tpu.core_type<sc_vector_subcore>, window_params = [{transform_indices = #map}, {transform_indices = #map1}]} {
    %mul3A = arith.constant 2 : i32
    %mul3A_0 = arith.muli %arg1, %mul3A : i32
    %add3A = arith.addi %mul3A_0, %arg0 : i32
    %mul3A_1 = arith.constant 512 : i32
    %mul3A_2 = arith.muli %add3A, %mul3A_1 : i32
    "tpu.region"() ({
      %run_scoped3A = tpu.sem_alloc : memref<!tpu.dma_semaphore, #tpu.memory_space<semaphore_mem>>
      tpu.enqueue_dma source(%arg2 : memref<50x256xf32, #tpu.memory_space<hbm>>) target(%arg4 : memref<50x256xf32, #tpu.memory_space<vmem>>) target_semaphore(%run_scoped3A : memref<!tpu.dma_semaphore, #tpu.memory_space<semaphore_mem>>)
      tpu.wait_dma2 semaphore(%run_scoped3A : memref<!tpu.dma_semaphore, #tpu.memory_space<semaphore_mem>>) src(%arg2 : memref<50x256xf32, #tpu.memory_space<hbm>>) dst(%arg4 : memref<50x256xf32, #tpu.memory_space<vmem>>)
      tpu.yield
    }) : () -> ()
    %scan3A = arith.constant 0 : i32
    %scan3A_3 = arith.constant 0 : i32
    %scan3A_4 = arith.constant 50 : i32
    %scan3A_5 = arith.addi %scan3A_3, %scan3A_4 : i32
    %scan3A_6 = arith.constant 1 : i32
    scf.for %scan3A_8 = %scan3A_3 to %scan3A_5 step %scan3A_6  : i32 {
      %get3A = arith.index_cast %scan3A_8 : i32 to index
      %get3A_9 = arith.constant 0 : index
      %get3A_10 = tpu.vector_load %arg4[%get3A, %get3A_9] {strides = array<i32>} : memref<50x256xf32, #tpu.memory_space<vmem>>, vector<1x16xf32>,
      %get3A_11 = vector.shape_cast %get3A_10 : vector<1x16xf32> to vector<16xf32>
      %get3A_12 = arith.index_cast %scan3A_8 : i32 to index
      %get3A_13 = arith.constant 16 : index
      %get3A_14 = tpu.vector_load %arg4[%get3A_12, %get3A_13] {strides = array<i32>} : memref<50x256xf32, #tpu.memory_space<vmem>>, vector<1x16xf32>,
      %get3A_15 = vector.shape_cast %get3A_14 : vector<1x16xf32> to vector<16xf32>
      %get3A_16 = arith.index_cast %scan3A_8 : i32 to index
      %get3A_17 = arith.constant 32 : index
      %get3A_18 = tpu.vector_load %arg4[%get3A_16, %get3A_17] {strides = array<i32>} : memref<50x256xf32, #tpu.memory_space<vmem>>, vector<1x16xf32>,
      %get3A_19 = vector.shape_cast %get3A_18 : vector<1x16xf32> to vector<16xf32>
      %get3A_20 = arith.index_cast %scan3A_8 : i32 to index
      %get3A_21 = arith.constant 48 : index
      %get3A_22 = tpu.vector_load %arg4[%get3A_20, %get3A_21] {strides = array<i32>} : memref<50x256xf32, #tpu.memory_space<vmem>>, vector<1x16xf32>,
      %get3A_23 = vector.shape_cast %get3A_22 : vector<1x16xf32> to vector<16xf32>
      %get3A_24 = arith.index_cast %scan3A_8 : i32 to index
      %get3A_25 = arith.constant 64 : index
      %get3A_26 = tpu.vector_load %arg4[%get3A_24, %get3A_25] {strides = array<i32>} : memref<50x256xf32, #tpu.memory_space<vmem>>, vector<1x16xf32>,
      %get3A_27 = vector.shape_cast %get3A_26 : vector<1x16xf32> to vector<16xf32>
      %get3A_28 = arith.index_cast %scan3A_8 : i32 to index
      %get3A_29 = arith.constant 80 : index
      %get3A_30 = tpu.vector_load %arg4[%get3A_28, %get3A_29] {strides = array<i32>} : memref<50x256xf32, #tpu.memory_space<vmem>>, vector<1x16xf32>,
      %get3A_31 = vector.shape_cast %get3A_30 : vector<1x16xf32> to vector<16xf32>
      %get3A_32 = arith.index_cast %scan3A_8 : i32 to index
      %get3A_33 = arith.constant 96 : index
      %get3A_34 = tpu.vector_load %arg4[%get3A_32, %get3A_33] {strides = array<i32>} : memref<50x256xf32, #tpu.memory_space<vmem>>, vector<1x16xf32>,
      %get3A_35 = vector.shape_cast %get3A_34 : vector<1x16xf32> to vector<16xf32>
      %get3A_36 = arith.index_cast %scan3A_8 : i32 to index
      %get3A_37 = arith.constant 112 : index
      %get3A_38 = tpu.vector_load %arg4[%get3A_36, %get3A_37] {strides = array<i32>} : memref<50x256xf32, #tpu.memory_space<vmem>>, vector<1x16xf32>,
      %get3A_39 = vector.shape_cast %get3A_38 : vector<1x16xf32> to vector<16xf32>
      %get3A_40 = arith.index_cast %scan3A_8 : i32 to index
      %get3A_41 = arith.constant 128 : index
      %get3A_42 = tpu.vector_load %arg4[%get3A_40, %get3A_41] {strides = array<i32>} : memref<50x256xf32, #tpu.memory_space<vmem>>, vector<1x16xf32>,
      %get3A_43 = vector.shape_cast %get3A_42 : vector<1x16xf32> to vector<16xf32>
      %get3A_44 = arith.index_cast %scan3A_8 : i32 to index
      %get3A_45 = arith.constant 144 : index
      %get3A_46 = tpu.vector_load %arg4[%get3A_44, %get3A_45] {strides = array<i32>} : memref<50x256xf32, #tpu.memory_space<vmem>>, vector<1x16xf32>,
      %get3A_47 = vector.shape_cast %get3A_46 : vector<1x16xf32> to vector<16xf32>
      %get3A_48 = arith.index_cast %scan3A_8 : i32 to index
      %get3A_49 = arith.constant 160 : index
      %get3A_50 = tpu.vector_load %arg4[%get3A_48, %get3A_49] {strides = array<i32>} : memref<50x256xf32, #tpu.memory_space<vmem>>, vector<1x16xf32>,
      %get3A_51 = vector.shape_cast %get3A_50 : vector<1x16xf32> to vector<16xf32>
      %get3A_52 = arith.index_cast %scan3A_8 : i32 to index
      %get3A_53 = arith.constant 176 : index
      %get3A_54 = tpu.vector_load %arg4[%get3A_52, %get3A_53] {strides = array<i32>} : memref<50x256xf32, #tpu.memory_space<vmem>>, vector<1x16xf32>,
      %get3A_55 = vector.shape_cast %get3A_54 : vector<1x16xf32> to vector<16xf32>
      %get3A_56 = arith.index_cast %scan3A_8 : i32 to index
      %get3A_57 = arith.constant 192 : index
      %get3A_58 = tpu.vector_load %arg4[%get3A_56, %get3A_57] {strides = array<i32>} : memref<50x256xf32, #tpu.memory_space<vmem>>, vector<1x16xf32>,
      %get3A_59 = vector.shape_cast %get3A_58 : vector<1x16xf32> to vector<16xf32>
      %get3A_60 = arith.index_cast %scan3A_8 : i32 to index
      %get3A_61 = arith.constant 208 : index
      %get3A_62 = tpu.vector_load %arg4[%get3A_60, %get3A_61] {strides = array<i32>} : memref<50x256xf32, #tpu.memory_space<vmem>>, vector<1x16xf32>,
      %get3A_63 = vector.shape_cast %get3A_62 : vector<1x16xf32> to vector<16xf32>
      %get3A_64 = arith.index_cast %scan3A_8 : i32 to index
      %get3A_65 = arith.constant 224 : index
      %get3A_66 = tpu.vector_load %arg4[%get3A_64, %get3A_65] {strides = array<i32>} : memref<50x256xf32, #tpu.memory_space<vmem>>, vector<1x16xf32>,
      %get3A_67 = vector.shape_cast %get3A_66 : vector<1x16xf32> to vector<16xf32>
      %get3A_68 = arith.index_cast %scan3A_8 : i32 to index
      %get3A_69 = arith.constant 240 : index
      %get3A_70 = tpu.vector_load %arg4[%get3A_68, %get3A_69] {strides = array<i32>} : memref<50x256xf32, #tpu.memory_space<vmem>>, vector<1x16xf32>,
      %get3A_71 = vector.shape_cast %get3A_70 : vector<1x16xf32> to vector<16xf32>
      %scan3A_72 = arith.constant 0 : i32
      %scan3A_73 = arith.constant 0 : i32
      %scan3A_74 = arith.constant 256 : i32
      %scan3A_75 = arith.addi %scan3A_73, %scan3A_74 : i32
      %scan3A_76 = arith.constant 1 : i32
      scf.for %scan3A_82 = %scan3A_73 to %scan3A_75 step %scan3A_76  : i32 {
        %swap3A = arith.index_cast %scan3A_82 : i32 to index
        %swap3A_83 = arith.constant 0 : index
        %swap3A_84 = tpu.vector_load %arg5[%swap3A, %swap3A_83] {strides = array<i32>} : memref<256x256xf32, #tpu.memory_space<vmem>>, vector<1x16xf32>,
        %swap3A_85 = vector.shape_cast %swap3A_84 : vector<1x16xf32> to vector<16xf32>
        %swap3A_86 = vector.shape_cast %get3A_11 : vector<16xf32> to vector<1x16xf32>
        tpu.vector_store %arg5[%swap3A, %swap3A_83], %swap3A_86 {strides = array<i32>} : memref<256x256xf32, #tpu.memory_space<vmem>>, vector<1x16xf32>,
        %swap3A_87 = arith.index_cast %scan3A_82 : i32 to index
        %swap3A_88 = arith.constant 16 : index
        %swap3A_89 = tpu.vector_load %arg5[%swap3A_87, %swap3A_88] {strides = array<i32>} : memref<256x256xf32, #tpu.memory_space<vmem>>, vector<1x16xf32>,
        %swap3A_90 = vector.shape_cast %swap3A_89 : vector<1x16xf32> to vector<16xf32>
        %swap3A_91 = vector.shape_cast %get3A_15 : vector<16xf32> to vector<1x16xf32>
        tpu.vector_store %arg5[%swap3A_87, %swap3A_88], %swap3A_91 {strides = array<i32>} : memref<256x256xf32, #tpu.memory_space<vmem>>, vector<1x16xf32>,
        %swap3A_92 = arith.index_cast %scan3A_82 : i32 to index
        %swap3A_93 = arith.constant 32 : index
        %swap3A_94 = tpu.vector_load %arg5[%swap3A_92, %swap3A_93] {strides = array<i32>} : memref<256x256xf32, #tpu.memory_space<vmem>>, vector<1x16xf32>,
        %swap3A_95 = vector.shape_cast %swap3A_94 : vector<1x16xf32> to vector<16xf32>
        %swap3A_96 = vector.shape_cast %get3A_19 : vector<16xf32> to vector<1x16xf32>
        tpu.vector_store %arg5[%swap3A_92, %swap3A_93], %swap3A_96 {strides = array<i32>} : memref<256x256xf32, #tpu.memory_space<vmem>>, vector<1x16xf32>,
        %swap3A_97 = arith.index_cast %scan3A_82 : i32 to index
        %swap3A_98 = arith.constant 48 : index
        %swap3A_99 = tpu.vector_load %arg5[%swap3A_97, %swap3A_98] {strides = array<i32>} : memref<256x256xf32, #tpu.memory_space<vmem>>, vector<1x16xf32>,
        %swap3A_100 = vector.shape_cast %swap3A_99 : vector<1x16xf32> to vector<16xf32>
        %swap3A_101 = vector.shape_cast %get3A_23 : vector<16xf32> to vector<1x16xf32>
        tpu.vector_store %arg5[%swap3A_97, %swap3A_98], %swap3A_101 {strides = array<i32>} : memref<256x256xf32, #tpu.memory_space<vmem>>, vector<1x16xf32>,
        %swap3A_102 = arith.index_cast %scan3A_82 : i32 to index
        %swap3A_103 = arith.constant 64 : index
        %swap3A_104 = tpu.vector_load %arg5[%swap3A_102, %swap3A_103] {strides = array<i32>} : memref<256x256xf32, #tpu.memory_space<vmem>>, vector<1x16xf32>,
        %swap3A_105 = vector.shape_cast %swap3A_104 : vector<1x16xf32> to vector<16xf32>
        %swap3A_106 = vector.shape_cast %get3A_27 : vector<16xf32> to vector<1x16xf32>
        tpu.vector_store %arg5[%swap3A_102, %swap3A_103], %swap3A_106 {strides = array<i32>} : memref<256x256xf32, #tpu.memory_space<vmem>>, vector<1x16xf32>,
        %swap3A_107 = arith.index_cast %scan3A_82 : i32 to index
        %swap3A_108 = arith.constant 80 : index
        %swap3A_109 = tpu.vector_load %arg5[%swap3A_107, %swap3A_108] {strides = array<i32>} : memref<256x256xf32, #tpu.memory_space<vmem>>, vector<1x16xf32>,
        %swap3A_110 = vector.shape_cast %swap3A_109 : vector<1x16xf32> to vector<16xf32>
        %swap3A_111 = vector.shape_cast %get3A_31 : vector<16xf32> to vector<1x16xf32>
        tpu.vector_store %arg5[%swap3A_107, %swap3A_108], %swap3A_111 {strides = array<i32>} : memref<256x256xf32, #tpu.memory_space<vmem>>, vector<1x16xf32>,
        %swap3A_112 = arith.index_cast %scan3A_82 : i32 to index
        %swap3A_113 = arith.constant 96 : index
        %swap3A_114 = tpu.vector_load %arg5[%swap3A_112, %swap3A_113] {strides = array<i32>} : memref<256x256xf32, #tpu.memory_space<vmem>>, vector<1x16xf32>,
        %swap3A_115 = vector.shape_cast %swap3A_114 : vector<1x16xf32> to vector<16xf32>
        %swap3A_116 = vector.shape_cast %get3A_35 : vector<16xf32> to vector<1x16xf32>
        tpu.vector_store %arg5[%swap3A_112, %swap3A_113], %swap3A_116 {strides = array<i32>} : memref<256x256xf32, #tpu.memory_space<vmem>>, vector<1x16xf32>,
        %swap3A_117 = arith.index_cast %scan3A_82 : i32 to index
        %swap3A_118 = arith.constant 112 : index
        %swap3A_119 = tpu.vector_load %arg5[%swap3A_117, %swap3A_118] {strides = array<i32>} : memref<256x256xf32, #tpu.memory_space<vmem>>, vector<1x16xf32>,
        %swap3A_120 = vector.shape_cast %swap3A_119 : vector<1x16xf32> to vector<16xf32>
        %swap3A_121 = vector.shape_cast %get3A_39 : vector<16xf32> to vector<1x16xf32>
        tpu.vector_store %arg5[%swap3A_117, %swap3A_118], %swap3A_121 {strides = array<i32>} : memref<256x256xf32, #tpu.memory_space<vmem>>, vector<1x16xf32>,
        %swap3A_122 = arith.index_cast %scan3A_82 : i32 to index
        %swap3A_123 = arith.constant 128 : index
        %swap3A_124 = tpu.vector_load %arg5[%swap3A_122, %swap3A_123] {strides = array<i32>} : memref<256x256xf32, #tpu.memory_space<vmem>>, vector<1x16xf32>,
        %swap3A_125 = vector.shape_cast %swap3A_124 : vector<1x16xf32> to vector<16xf32>
        %swap3A_126 = vector.shape_cast %get3A_43 : vector<16xf32> to vector<1x16xf32>
        tpu.vector_store %arg5[%swap3A_122, %swap3A_123], %swap3A_126 {strides = array<i32>} : memref<256x256xf32, #tpu.memory_space<vmem>>, vector<1x16xf32>,
        %swap3A_127 = arith.index_cast %scan3A_82 : i32 to index
        %swap3A_128 = arith.constant 144 : index
        %swap3A_129 = tpu.vector_load %arg5[%swap3A_127, %swap3A_128] {strides = array<i32>} : memref<256x256xf32, #tpu.memory_space<vmem>>, vector<1x16xf32>,
        %swap3A_130 = vector.shape_cast %swap3A_129 : vector<1x16xf32> to vector<16xf32>
        %swap3A_131 = vector.shape_cast %get3A_47 : vector<16xf32> to vector<1x16xf32>
        tpu.vector_store %arg5[%swap3A_127, %swap3A_128], %swap3A_131 {strides = array<i32>} : memref<256x256xf32, #tpu.memory_space<vmem>>, vector<1x16xf32>,
        %swap3A_132 = arith.index_cast %scan3A_82 : i32 to index
        %swap3A_133 = arith.constant 160 : index
        %swap3A_134 = tpu.vector_load %arg5[%swap3A_132, %swap3A_133] {strides = array<i32>} : memref<256x256xf32, #tpu.memory_space<vmem>>, vector<1x16xf32>,
        %swap3A_135 = vector.shape_cast %swap3A_134 : vector<1x16xf32> to vector<16xf32>
        %swap3A_136 = vector.shape_cast %get3A_51 : vector<16xf32> to vector<1x16xf32>
        tpu.vector_store %arg5[%swap3A_132, %swap3A_133], %swap3A_136 {strides = array<i32>} : memref<256x256xf32, #tpu.memory_space<vmem>>, vector<1x16xf32>,
        %swap3A_137 = arith.index_cast %scan3A_82 : i32 to index
        %swap3A_138 = arith.constant 176 : index
        %swap3A_139 = tpu.vector_load %arg5[%swap3A_137, %swap3A_138] {strides = array<i32>} : memref<256x256xf32, #tpu.memory_space<vmem>>, vector<1x16xf32>,
        %swap3A_140 = vector.shape_cast %swap3A_139 : vector<1x16xf32> to vector<16xf32>
        %swap3A_141 = vector.shape_cast %get3A_55 : vector<16xf32> to vector<1x16xf32>
        tpu.vector_store %arg5[%swap3A_137, %swap3A_138], %swap3A_141 {strides = array<i32>} : memref<256x256xf32, #tpu.memory_space<vmem>>, vector<1x16xf32>,
        %swap3A_142 = arith.index_cast %scan3A_82 : i32 to index
        %swap3A_143 = arith.constant 192 : index
        %swap3A_144 = tpu.vector_load %arg5[%swap3A_142, %swap3A_143] {strides = array<i32>} : memref<256x256xf32, #tpu.memory_space<vmem>>, vector<1x16xf32>,
        %swap3A_145 = vector.shape_cast %swap3A_144 : vector<1x16xf32> to vector<16xf32>
        %swap3A_146 = vector.shape_cast %get3A_59 : vector<16xf32> to vector<1x16xf32>
        tpu.vector_store %arg5[%swap3A_142, %swap3A_143], %swap3A_146 {strides = array<i32>} : memref<256x256xf32, #tpu.memory_space<vmem>>, vector<1x16xf32>,
        %swap3A_147 = arith.index_cast %scan3A_82 : i32 to index
        %swap3A_148 = arith.constant 208 : index
        %swap3A_149 = tpu.vector_load %arg5[%swap3A_147, %swap3A_148] {strides = array<i32>} : memref<256x256xf32, #tpu.memory_space<vmem>>, vector<1x16xf32>,
        %swap3A_150 = vector.shape_cast %swap3A_149 : vector<1x16xf32> to vector<16xf32>
        %swap3A_151 = vector.shape_cast %get3A_63 : vector<16xf32> to vector<1x16xf32>
        tpu.vector_store %arg5[%swap3A_147, %swap3A_148], %swap3A_151 {strides = array<i32>} : memref<256x256xf32, #tpu.memory_space<vmem>>, vector<1x16xf32>,
        %swap3A_152 = arith.index_cast %scan3A_82 : i32 to index
        %swap3A_153 = arith.constant 224 : index
        %swap3A_154 = tpu.vector_load %arg5[%swap3A_152, %swap3A_153] {strides = array<i32>} : memref<256x256xf32, #tpu.memory_space<vmem>>, vector<1x16xf32>,
        %swap3A_155 = vector.shape_cast %swap3A_154 : vector<1x16xf32> to vector<16xf32>
        %swap3A_156 = vector.shape_cast %get3A_67 : vector<16xf32> to vector<1x16xf32>
        tpu.vector_store %arg5[%swap3A_152, %swap3A_153], %swap3A_156 {strides = array<i32>} : memref<256x256xf32, #tpu.memory_space<vmem>>, vector<1x16xf32>,
        %swap3A_157 = arith.index_cast %scan3A_82 : i32 to index
        %swap3A_158 = arith.constant 240 : index
        %swap3A_159 = tpu.vector_load %arg5[%swap3A_157, %swap3A_158] {strides = array<i32>} : memref<256x256xf32, #tpu.memory_space<vmem>>, vector<1x16xf32>,
        %swap3A_160 = vector.shape_cast %swap3A_159 : vector<1x16xf32> to vector<16xf32>
        %swap3A_161 = vector.shape_cast %get3A_71 : vector<16xf32> to vector<1x16xf32>
        tpu.vector_store %arg5[%swap3A_157, %swap3A_158], %swap3A_161 {strides = array<i32>} : memref<256x256xf32, #tpu.memory_space<vmem>>, vector<1x16xf32>,
      }
      %scan3A_77 = arith.constant 256 : i32
      %add3A_78 = arith.constant 0 : i32
      %add3A_79 = arith.addi %mul3A_2, %add3A_78 : i32
      "tpu.region"() ({
        %run_scoped3A = tpu.sem_alloc : memref<!tpu.dma_semaphore, #tpu.memory_space<semaphore_mem>>
        %dma_start3A = arith.constant 0 : i32
        %dma_start3A_82 = tpu.memref_slice %arg3[%scan3A_8, %add3A_79, %dma_start3A] : memref<50x16384x256xf32, #tpu.memory_space<hbm>> -> memref<1x256x256xf32, #tpu.memory_space<hbm>>
        %dma_start3A_83 = tpu.memref_squeeze %dma_start3A_82 : memref<1x256x256xf32, #tpu.memory_space<hbm>> -> memref<256x256xf32, #tpu.memory_space<hbm>>
        %dma_start3A_84 = arith.constant 0 : i32
        %dma_start3A_85 = tpu.memref_slice %arg3[%scan3A_8, %add3A_79, %dma_start3A_84] : memref<50x16384x256xf32, #tpu.memory_space<hbm>> -> memref<1x256x256xf32, #tpu.memory_space<hbm>>
        %dma_start3A_86 = tpu.memref_squeeze %dma_start3A_85 : memref<1x256x256xf32, #tpu.memory_space<hbm>> -> memref<256x256xf32, #tpu.memory_space<hbm>>
        tpu.enqueue_dma source(%arg5 : memref<256x256xf32, #tpu.memory_space<vmem>>) target(%dma_start3A_86 : memref<256x256xf32, #tpu.memory_space<hbm>>) target_semaphore(%run_scoped3A : memref<!tpu.dma_semaphore, #tpu.memory_space<semaphore_mem>>)
        %dma_wait3A = arith.constant 0 : i32
        %dma_wait3A_87 = tpu.memref_slice %arg3[%scan3A_8, %add3A_79, %dma_wait3A] : memref<50x16384x256xf32, #tpu.memory_space<hbm>> -> memref<1x256x256xf32, #tpu.memory_space<hbm>>
        %dma_wait3A_88 = tpu.memref_squeeze %dma_wait3A_87 : memref<1x256x256xf32, #tpu.memory_space<hbm>> -> memref<256x256xf32, #tpu.memory_space<hbm>>
        %dma_wait3A_89 = arith.constant 0 : i32
        %dma_wait3A_90 = tpu.memref_slice %arg3[%scan3A_8, %add3A_79, %dma_wait3A_89] : memref<50x16384x256xf32, #tpu.memory_space<hbm>> -> memref<1x256x256xf32, #tpu.memory_space<hbm>>
        %dma_wait3A_91 = tpu.memref_squeeze %dma_wait3A_90 : memref<1x256x256xf32, #tpu.memory_space<hbm>> -> memref<256x256xf32, #tpu.memory_space<hbm>>
        tpu.wait_dma2 semaphore(%run_scoped3A : memref<!tpu.dma_semaphore, #tpu.memory_space<semaphore_mem>>) src(%arg5 : memref<256x256xf32, #tpu.memory_space<vmem>>) dst(%dma_wait3A_91 : memref<256x256xf32, #tpu.memory_space<hbm>>)
        tpu.yield
      }) : () -> ()
      %add3A_80 = arith.constant 256 : i32
      %add3A_81 = arith.addi %mul3A_2, %add3A_80 : i32
      "tpu.region"() ({
        %run_scoped3A = tpu.sem_alloc : memref<!tpu.dma_semaphore, #tpu.memory_space<semaphore_mem>>
        %dma_start3A = arith.constant 0 : i32
        %dma_start3A_82 = tpu.memref_slice %arg3[%scan3A_8, %add3A_81, %dma_start3A] : memref<50x16384x256xf32, #tpu.memory_space<hbm>> -> memref<1x256x256xf32, #tpu.memory_space<hbm>>
        %dma_start3A_83 = tpu.memref_squeeze %dma_start3A_82 : memref<1x256x256xf32, #tpu.memory_space<hbm>> -> memref<256x256xf32, #tpu.memory_space<hbm>>
        %dma_start3A_84 = arith.constant 0 : i32
        %dma_start3A_85 = tpu.memref_slice %arg3[%scan3A_8, %add3A_81, %dma_start3A_84] : memref<50x16384x256xf32, #tpu.memory_space<hbm>> -> memref<1x256x256xf32, #tpu.memory_space<hbm>>
        %dma_start3A_86 = tpu.memref_squeeze %dma_start3A_85 : memref<1x256x256xf32, #tpu.memory_space<hbm>> -> memref<256x256xf32, #tpu.memory_space<hbm>>
        tpu.enqueue_dma source(%arg5 : memref<256x256xf32, #tpu.memory_space<vmem>>) target(%dma_start3A_86 : memref<256x256xf32, #tpu.memory_space<hbm>>) target_semaphore(%run_scoped3A : memref<!tpu.dma_semaphore, #tpu.memory_space<semaphore_mem>>)
        %dma_wait3A = arith.constant 0 : i32
        %dma_wait3A_87 = tpu.memref_slice %arg3[%scan3A_8, %add3A_81, %dma_wait3A] : memref<50x16384x256xf32, #tpu.memory_space<hbm>> -> memref<1x256x256xf32, #tpu.memory_space<hbm>>
        %dma_wait3A_88 = tpu.memref_squeeze %dma_wait3A_87 : memref<1x256x256xf32, #tpu.memory_space<hbm>> -> memref<256x256xf32, #tpu.memory_space<hbm>>
        %dma_wait3A_89 = arith.constant 0 : i32
        %dma_wait3A_90 = tpu.memref_slice %arg3[%scan3A_8, %add3A_81, %dma_wait3A_89] : memref<50x16384x256xf32, #tpu.memory_space<hbm>> -> memref<1x256x256xf32, #tpu.memory_space<hbm>>
        %dma_wait3A_91 = tpu.memref_squeeze %dma_wait3A_90 : memref<1x256x256xf32, #tpu.memory_space<hbm>> -> memref<256x256xf32, #tpu.memory_space<hbm>>
        tpu.wait_dma2 semaphore(%run_scoped3A : memref<!tpu.dma_semaphore, #tpu.memory_space<semaphore_mem>>) src(%arg5 : memref<256x256xf32, #tpu.memory_space<vmem>>) dst(%dma_wait3A_91 : memref<256x256xf32, #tpu.memory_space<hbm>>)
        tpu.yield
      }) : () -> ()
    }
    %scan3A_7 = arith.constant 50 : i32
    return
  }
}

</mosaic_0001>

<sc_bundles>
// kernel: kernel.3.cloned.1.call-start
scs
__scs_entry_jumppad:
0x0: {  	(pc) =	sbr.rel $0x88, $3  }
0x1: {  	(tag) =	ssettag $0x0;
	lr =	simm.s32 $0x1  }
0x2: {  	[smem:$0x3FA0] =	sst lr;
	_ =	strace $0xD0000000  }
0x3: {  	_ = 	snop  }
0x4: {  	_ = 	snop  }
0x5: {  	_ = 	snop  }
0x6: {  	_ = 	snop  }
0x7: {  	_ = 	snop  }
__scs_overlays_trampoline_lowered:
0x8: {  	[smem:$0x3FAF] =	sst s0  }
0x9: {  	[smem:$0x3FB0] =	sst s1  }
0xa: {  	[smem:$0x3FB1] =	sst s2  }
0xb: {  	[smem:$0x3FB2] =	sst s3  }
0xc: {  	[smem:$0x3FB3] =	sst s4  }
0xd: {  	[smem:$0x3FB4] =	sst s5  }
0xe: {  	[smem:$0x3FB5] =	sst s6  }
0xf: {  	[smem:$0x3FB6] =	sst s7  }
0x10: {  	[smem:$0x3FB7] =	sst s8  }
0x11: {  	[smem:$0x3FB8] =	sst s9;
	s0 =	simm.s32 @!p0 $0x0  }
0x12: {  	s1 =	sld [smem:$0x3F9E];
	s0 =	simm.s32 @p0 $0x1  }
0x13: {  	[smem:$0x3FB9] =	sst s0;
	s0 =	simm.s32 @!p1 $0x0  }
0x14: {  	s2 =	sld [smem:$0x3F9D];
	s0 =	simm.s32 @p1 $0x1  }
0x15: {  	[smem:$0x3FBA] =	sst s0;
	s0 =	simm.s32 @!p2 $0x0  }
0x16: {  	s3 =	sld [smem:$0x3FDB];
	s0 =	simm.s32 @p2 $0x1  }
0x17: {  	s4 =	simm.s32 $0x1BF5;
	[smem:$0x3FBC] =	sst s0  }
0x18: {  	s0 =	sld [smem:$0x3F9F];
	_ =	swait.ge [sflag:s4], $0x0  }
0x19: {  	s7 =	sld [smem:$0x3FA0]  }
0x1a: {  	s8 =	sadd.s32 $0xFFFFE003, lr  }
0x1b: {  	s9 =	sadd.s32 $0xFFFFFEF7, lr;
	s5 =	simm.s32 $0xFFFFFFFF;
	p2 =	slt.u32 s8, $0xFFFFF086  }
0x1c: {  	p1 =	slt.u32 s9, $0xF7A;
	s5 =	simm.s32 @!p2 $0x0  }
0x1d: {  	s5 =	simm.s32 @p1 $0x1;
	p0 =	seq.s32 s7, s2  }
0x1e: {  	s7 =	smul.u32 @!p0 $0xF7A, s2;
	p2 =	seq.s32 @!p0 s5, $0x0  }
0x1f: {  	s9 =	smul.u32 $0xF7A, s1;
	s8 =	simm.s32 @!p0 $0x1BF5;
	p2 =	por !p2, p0  }
0x20: {  	[sflag:s8] =	ssyncset.s32 @!p0 $0xFFFFF086;
	s6 =	sadd.s32 @!p0 s3, s7;
	s7 =	simm.s32 @!p0 $0x108  }
0x21: {  	s3 =	sadd.s32 s3, s9;
	s6 =	sadd.s32 @!p0 $0x88, s6;
	s7 =	simm.s32 @p2 $0x1082  }
0x22: {  	[simem:s7], [sflag:s8] =	dma.local @!p0 [hbm:s6], $0xF7A  }
0x23: {  	s9 =	sor.u32 $0xD0000000, s2;
	s6 =	simm.s32 $0x108;
	_ =	swait.ge @!p0 [sflag:s8], $0x0  }
0x24: {  	s3 =	sadd.s32 $0x88, s3;
	s6 =	simm.s32 @!p1 $0x1082;
	[sflag:s4] =	ssyncset.s32 $0xFFFFF086  }
0x25: {  	[simem:s6], [sflag:s4] =	dma.local [hbm:s3], $0xF7A  }
0x26: {  	[smem:$0x3FA0] =	sst s1;
	(tag) =	ssettag s2;
	_ =	strace s9  }
0x27: {  	s1 =	sld [smem:$0x3FB0]  }
0x28: {  	s2 =	sld [smem:$0x3FB1]  }
0x29: {  	s4 =	sld [smem:$0x3FB3]  }
0x2a: {  	p0 =	seq.s32 s5, $0x0;
	s5 =	sld [smem:$0x3FB4]  }
0x2b: {  	s6 =	sld [smem:$0x3FB5]  }
0x2c: {  	s7 =	sld [smem:$0x3FB6]  }
0x2d: {  	s3 =	simm.s32 $0x108;
	s8 =	sld [smem:$0x3FB7]  }
0x2e: {  	s3 =	simm.s32 @!p0 $0x1082;
	s9 =	sld [smem:$0x3FB8]  }
0x2f: {  	lr =	sadd.s32 s0, s3;
	s0 =	sld [smem:$0x3FAF]  }
0x30: {  	s3 =	sld [smem:$0x3FB2]  }
0x31: {  	[smem:$0x3FBB] =	sst s10  }
0x32: {  	s10 =	sld [smem:$0x3FB9];
	_ =	sdelay $0x3  }
0x33: {  	p0 =	seq.s32 s10, $0x1;
	s10 =	sld [smem:$0x3FBB];
	_ =	sdelay $0x3  }
0x34: {  	[smem:$0x3FBB] =	sst s10  }
0x35: {  	s10 =	sld [smem:$0x3FBA];
	_ =	sdelay $0x3  }
0x36: {  	p1 =	seq.s32 s10, $0x1;
	s10 =	sld [smem:$0x3FBB];
	_ =	sdelay $0x3  }
0x37: {  	[smem:$0x3FBB] =	sst s10  }
0x38: {  	s10 =	sld [smem:$0x3FBC]  }
0x39: {  	_ = 	snop;
	(pc) =	sbr.ind lr, $3  }
0x3a: {  	_ = 	snop  }
0x3b: {  	_ = 	snop  }
0x3c: {  	p2 =	seq.s32 s10, $0x1;
	s10 =	sld [smem:$0x3FBB]  }
0x3d: {  	_ =	shalt  }
0x3e: {  	_ =	shalt  }
0x3f: {  	_ =	shalt  }
0x40: {  	_ =	shalt  }
0x41: {  	_ =	shalt  }
0x42: {  	_ =	shalt  }
0x43: {  	_ =	shalt  }
0x44: {  	_ =	shalt  }
0x45: {  	_ =	shalt  }
0x46: {  	_ =	shalt  }
0x47: {  	_ =	shalt  }
0x48: {  	_ =	shalt  }
0x49: {  	_ =	shalt  }
0x4a: {  	_ =	shalt  }
0x4b: {  	_ =	shalt  }
0x4c: {  	_ =	shalt  }
0x4d: {  	_ =	shalt  }
0x4e: {  	_ =	shalt  }
0x4f: {  	_ =	shalt  }
0x50: {  	_ =	shalt  }
0x51: {  	_ =	shalt  }
0x52: {  	_ =	shalt  }
0x53: {  	_ =	shalt  }
0x54: {  	_ =	shalt  }
0x55: {  	_ =	shalt  }
0x56: {  	_ =	shalt  }
0x57: {  	_ =	shalt  }
0x58: {  	_ =	shalt  }
0x59: {  	_ =	shalt  }
0x5a: {  	_ =	shalt  }
0x5b: {  	_ =	shalt  }
0x5c: {  	_ =	shalt  }
0x5d: {  	_ =	shalt  }
0x5e: {  	_ =	shalt  }
0x5f: {  	_ =	shalt  }
0x60: {  	_ =	shalt  }
0x61: {  	_ =	shalt  }
0x62: {  	_ =	shalt  }
0x63: {  	_ =	shalt  }
0x64: {  	_ =	shalt  }
0x65: {  	_ =	shalt  }
0x66: {  	_ =	shalt  }
0x67: {  	_ =	shalt  }
0x68: {  	_ =	shalt  }
0x69: {  	_ =	shalt  }
0x6a: {  	_ =	shalt  }
0x6b: {  	_ =	shalt  }
0x6c: {  	_ =	shalt  }
0x6d: {  	_ =	shalt  }
0x6e: {  	_ =	shalt  }
0x6f: {  	_ =	shalt  }
0x70: {  	_ =	shalt  }
0x71: {  	_ =	shalt  }
0x72: {  	_ =	shalt  }
0x73: {  	_ =	shalt  }
0x74: {  	_ =	shalt  }
0x75: {  	_ =	shalt  }
0x76: {  	_ =	shalt  }
0x77: {  	_ =	shalt  }
0x78: {  	_ =	shalt  }
0x79: {  	_ =	shalt  }
0x7a: {  	_ =	shalt  }
0x7b: {  	_ =	shalt  }
0x7c: {  	_ =	shalt  }
0x7d: {  	_ =	shalt  }
0x7e: {  	_ =	shalt  }
0x7f: {  	_ =	shalt  }
0x80: {  	_ =	shalt  }
0x81: {  	_ =	shalt  }
0x82: {  	_ =	shalt  }
0x83: {  	_ =	shalt  }
0x84: {  	_ =	shalt  }
0x85: {  	_ =	shalt  }
0x86: {  	_ =	shalt  }
0x87: {  	_ =	shalt  }
.Lfunc_end0:
.L_simem_size_0:
called_computation_lowered:
.L_overlay_start_0:
0x88: {  	s2 =	sld [smem:$0x3FD9]  }
0x89: {  	s3 =	sld [smem:$0x3FFE];
	_ =	sdelay $0x1  }
0x8a: {  	s1 =	srdreg.scid  }
0x8b: {  	s0 =	sand.u32 $0x1, s1  }
0x8c: {  	s18 =	sshll.u32 s0, $0xA;
	s2 =	sadd.s32 s3, s2  }
0x8d: {  	s2 =	sadd.s32 s2, s18  }
0x8e: {  	[smem:$0x3FC7] =	sst s2  }
0x8f: {  	_ = 	snop  }
0x90: {  	s2 =	sld [smem:$0x3FC9]  }
0x91: {  	s19 =	sld [smem:$0x3FD0];
	(tm) =	ssettm $0x1  }
0x92: {  	s4 =	sld [smem:$0x3FFB];
	_ =	sdelay $0x3  }
0x93: {  	_ =	strace s4  }
0x94: {  	s4 =	sld [smem:$0x3FFC];
	_ =	sdelay $0x3  }
0x95: {  	_ =	strace s4  }
0x96: {  	s4 =	sld [smem:$0x3FFD];
	_ =	sdelay $0x3  }
0x97: {  	_ =	strace s4  }
0x98: {  	_ =	strace $0x8FFFFFFF  }
0x99: {  	s20 =	sld [smem:$0x3FDB];
	_ =	sdelay $0x1  }
0x9a: {  	s5 =	simm.s32 $_scs_section_size  }
0x9b: {  	s6 =	simm.s32 $_size__tile_overlayer_lowered;
	s7 =	simm.s32 $_tile_overlayer_lowered  }
0x9c: {  	s23 =	simm.s32 $0x1BFF;
	s22 =	sshll.u32 s7, $0x1;
	s4 =	sadd.s32 s5, s20  }
0x9d: {  	s8 =	simm.s32 $0x0;
	s21 =	sshll.u32 s6, $0x1;
	s6 =	sadd.s32 s22, s4  }
0x9e: {  	[timem:s8], [sflag:s23] =	dma.local [hbm:s6], s21  }
0x9f: {  	_ =	swait.ge [sflag:s23], s21  }
0xa0: {  	s5 =	ssub.s32 $0x0, s21;
	[sflag:s23] =	ssyncset.done $0x0  }
0xa1: {  	[sflag:s23] =	ssyncadd.s32 s5;
	_ =	sdelay $0x1  }
0xa2: {  	s24 =	simm.s32 $0x1B8B  }
0xa3: {  	_ =	swait.ge [sflag:s24], $0x1  }
0xa4: {  	[sflag:s24] =	ssyncset.done $0x0  }
0xa5: {  	s25 =	simm.s32 $0x1B8E;
	[sflag:s24] =	ssyncadd.s32 $0xFFFFFFFF  }
0xa6: {  	s26 =	simm.s32 $execute0_lowered;
	[smem:$0x3FD2] =	sst s25  }
0xa7: {  	s5 =	sshll.u32 s26, $0x1;
	_ =	strace $0x80000046;
	[dreg:$0x1] =	wrdreg $0xFFFFFFFF  }
0xa8: {  	s28 =	simm.s32 $_size_execute0_lowered;
	s4 =	sadd.s32 s4, s5;
	[dreg:$0x0] =	wrdreg $0x0  }
0xa9: {  	s5 =	sshll.u32 s28, $0x1;
	[dreg:$0x2] =	wrdreg s4  }
0xaa: {  	[dreg:$0x3] =	wrdreg s5  }
0xab: {  	[dreg:$0x4] =	wrdreg $0xC0  }
0xac: {  	_ =	task [dreg:s8], $0x5FFFF  }
0xad: {  	[dreg:$0x1] =	wrdreg $0xFFFFFFFF  }
0xae: {  	[dreg:$0x0] =	wrdreg $0x60  }
0xaf: {  	[dreg:$0x2] =	wrdreg s2  }
0xb0: {  	[dreg:$0x3] =	wrdreg s19  }
0xb1: {  	[dreg:$0x4] =	wrdreg $0x9  }
0xb2: {  	_ =	task.clear_ibuf [dreg:s8], $0x5FFFF;
	_ =	strace $0x90000046  }
0xb3: {  	s29 =	simm.s32 $0x9;
	_ =	strace $0x80000048  }
0xb4: {  	_ =	swait.ge [sflag:s29], $0x1  }
0xb5: {  	[sflag:s29] =	ssyncadd.s32 $0xFFFFFFFF  }
0xb6: {  	_ =	strace $0x90000048  }
0xb7: {  	_ =	sfence  }
0xb8: {  	s30 =	sld [smem:$0x0];
	_ =	sdelay $0x2  }
0xb9: {  	s31 =	sshll.u32 s1, $0xD;
	s1 =	sshrl.u32 s1, $0x2  }
0xba: {  	s3 =	sand.u32 $0x4000, s31;
	s1 =	sadd.s32 s1, s30  }
0xbb: {  	s0 =	sor.u32 s3, s0;
	s1 =	sshll.u32 s1, $0x11  }
0xbc: {  	s0 =	sor.u32 s1, s0  }
0xbd: {  	s0 =	sadd.s32 $0x8F2B, s0  }
0xbe: {  	[sflag:s0] =	ssyncadd.remote.s32 $0x1  }
0xbf: {  	_ =	sfence.sel $0xFFFF  }
0xc0: {  	[dreg:$0x0] =	wrdreg $0xFFFFFFFF;
	(pc) =	sbr.abs _section_cstart, $3  }
0xc1: {  	[dreg:$0x1] =	wrdreg $0xFFFFFFFF  }
0xc2: {  	_ =	task.clear_ibuf [dreg:s8], $0x2FFFF;
	_ =	strace $0x9FFFFFFF  }
0xc3: {  	(tm) =	ssettm $0x7FFFFFFF  }
tec
execute0_lowered:
.L_overlay_start_1:
0x0: {  	(tag) =	ssettag $0x1  }
0x1: {  	s1 =	rddreg [dreg:$0x0]  }
0x2: {  	s0 =	srdreg.scid;
	s2 =	rddreg [dreg:$0x1];
	s4 =	simm.s32 $0x0  }
0x3: {  	s3 =	stileid.u32;
	s8 =	simm.s32 $0x3800;
	s5 =	sand.u32 $0x1, s0  }
0x4: {  	s9 =	simm.s32 $0x0;
	s0 =	rddreg [dreg:$0x2];
	s6 =	ssub.s32 $0x2, s5  }
0x5: {  	[smem:$0x7FF] =	sst s4;
	s31 =	sshll.u32 s3, $0x12;
	s7 =	sshrl.u32 s6, $0x1  }
0x6: {  	s5 =	sshll.u32 s5, $0x11;
	_ =	strace $0x80000047;
	s6 =	ssub.s32 s6, s7  }
0x7: {  	s5 =	sor.u32 s5, s31;
	s7 =	simm.s32 $0x1;
	s6 =	smax.u32 s6, $0x1  }
.LBB2_1:
0x8: {  	[tilespmem:s4], [sflag:$0x1] =	stream.linear.gather [hbm4b:s1+s4], $0x3800, $0x38;
	[tilespmem:$0x13800] =	vst v63  }
0x9: {  	_ =	swait.ge [sflag:s7], $0x3800  }
0xa: {  	[sflag:s7] =	ssyncset.done $0x0  }
0xb: {  	s10 =	simm.s32 $0x0;
	[sflag:s7] =	ssyncadd.s32 $0xFFFFC800  }
.LBB2_2:
0xc: {  	s11 =	sshll.u32 s10, $0x8;
	s12 =	sshll.u32 s10, $0x7  }
0xd: {  	s11 =	sand.u32 $0x3800, s11;
	s12 =	sand.u32 $0x380, s12  }
0xe: {  	s11 =	sor.u32 s12, s11  }
0xf: {  	v0 =	vld [tilespmem:s11+$0x0]  }
0x10: {  	v1 =	vld [tilespmem:s11+$0x10]  }
0x11: {  	v2 =	vld [tilespmem:s11+$0x20]  }
0x12: {  	v3 =	vld [tilespmem:s11+$0x30]  }
0x13: {  	v4 =	vld [tilespmem:s11+$0x40]  }
0x14: {  	v5 =	vld [tilespmem:s11+$0x50]  }
0x15: {  	v6 =	vld [tilespmem:s11+$0x60]  }
0x16: {  	v7 =	vld [tilespmem:s11+$0x70]  }
0x17: {  	v8 =	vld [tilespmem:s11+$0x400]  }
0x18: {  	v9 =	vld [tilespmem:s11+$0x410]  }
0x19: {  	v10 =	vld [tilespmem:s11+$0x420]  }
0x1a: {  	v15 =	vld [tilespmem:s11+$0x470]  }
0x1b: {  	v13 =	vld [tilespmem:s11+$0x430]  }
0x1c: {  	s30 =	simm.s32 $0x0;
	v11 =	vld [tilespmem:s11+$0x440]  }
0x1d: {  	s13 =	sand.u32 $0xF800, s30;
	s12 =	sand.u32 $0x380, s30;
	v12 =	vld [tilespmem:s11+$0x450]  }
0x1e: {  	v14 =	vld [tilespmem:s11+$0x460];
	s11 =	sor.u32 s12, s13  }
0x1f: {  	[tilespmem:s11+$0x3C70] =	vst v15  }
0x20: {  	[tilespmem:s11+$0x3800] =	vst v0  }
0x21: {  	[tilespmem:s11+$0x3810] =	vst v1  }
0x22: {  	[tilespmem:s11+$0x3820] =	vst v2  }
0x23: {  	[tilespmem:s11+$0x3830] =	vst v3  }
0x24: {  	[tilespmem:s11+$0x3840] =	vst v4  }
0x25: {  	[tilespmem:s11+$0x3850] =	vst v5  }
0x26: {  	[tilespmem:s11+$0x3860] =	vst v6  }
0x27: {  	[tilespmem:s11+$0x3870] =	vst v7  }
0x28: {  	[tilespmem:s11+$0x3C00] =	vst v8  }
0x29: {  	[tilespmem:s11+$0x3C10] =	vst v9  }
0x2a: {  	[tilespmem:s11+$0x3C20] =	vst v10  }
0x2b: {  	[tilespmem:s11+$0x3C30] =	vst v13  }
0x2c: {  	s31 =	simm.s32 $0x100;
	s12 =	simm.s32 $0x80;
	[tilespmem:s11+$0x3C40] =	vst v11  }
0x2d: {  	s14 =	sand.u32 $0xF800, s31;
	s13 =	simm.s32 $0x200;
	s15 =	sand.u32 $0x380, s12;
	[tilespmem:s11+$0x3C50] =	vst v12  }
.LBB2_3:
0x2e: {  	p0 =	sne.s32 s13, $0xFF00;
	[tilespmem:s11+$0x3C60] =	vst v14;
	s11 =	sor.u32 s15, s14  }
0x2f: {  	[tilespmem:s11+$0x3C70] =	vst v15  }
0x30: {  	[tilespmem:s11+$0x3800] =	vst v0  }
0x31: {  	[tilespmem:s11+$0x3810] =	vst v1  }
0x32: {  	[tilespmem:s11+$0x3820] =	vst v2  }
0x33: {  	[tilespmem:s11+$0x3830] =	vst v3  }
0x34: {  	[tilespmem:s11+$0x3840] =	vst v4  }
0x35: {  	[tilespmem:s11+$0x3850] =	vst v5  }
0x36: {  	[tilespmem:s11+$0x3860] =	vst v6  }
0x37: {  	[tilespmem:s11+$0x3870] =	vst v7  }
0x38: {  	[tilespmem:s11+$0x3C00] =	vst v8  }
.Ltmp0:
0x39: {  	[tilespmem:s11+$0x3C10] =	vst v9;
	(pc) =	sbr.rel @p0 .LBB2_3-.Ltmp0, $4  }
0x3a: {  	[tilespmem:s11+$0x3C20] =	vst v10  }
0x3b: {  	[tilespmem:s11+$0x3C30] =	vst v13  }
0x3c: {  	s12 =	sadd.s32 $0x80, s12;
	[tilespmem:s11+$0x3C40] =	vst v11  }
0x3d: {  	s14 =	sand.u32 $0xF800, s13;
	s13 =	sadd.s32 $0x100, s13;
	s15 =	sand.u32 $0x380, s12;
	[tilespmem:s11+$0x3C50] =	vst v12  }
0x3e: {  	s12 =	sor.u32 s15, s14;
	[tilespmem:s11+$0x3C60] =	vst v14  }
0x3f: {  	[tilespmem:s12+$0x3C70] =	vst v15  }
0x40: {  	[tilespmem:s12+$0x3800] =	vst v0  }
0x41: {  	[tilespmem:s12+$0x3810] =	vst v1  }
0x42: {  	[tilespmem:s12+$0x3820] =	vst v2  }
0x43: {  	[tilespmem:s12+$0x3830] =	vst v3  }
0x44: {  	[tilespmem:s12+$0x3840] =	vst v4  }
0x45: {  	[tilespmem:s12+$0x3850] =	vst v5  }
0x46: {  	[tilespmem:s12+$0x3860] =	vst v6  }
0x47: {  	[tilespmem:s12+$0x3870] =	vst v7  }
0x48: {  	[tilespmem:s12+$0x3C00] =	vst v8  }
0x49: {  	[tilespmem:s12+$0x3C10] =	vst v9  }
0x4a: {  	[tilespmem:s12+$0x3C20] =	vst v10  }
0x4b: {  	s31 =	sshll.u32 s10, $0x16;
	[tilespmem:s12+$0x3C30] =	vst v13  }
0x4c: {  	[tilespmem:s12+$0x3C40] =	vst v11;
	s11 =	sor.u32 s5, s31  }
0x4d: {  	[tilespmem:s12+$0x3C50] =	vst v12;
	s11 =	sshrl.u32 s11, $0x3  }
0x4e: {  	[tilespmem:s12+$0x3C60] =	vst v14;
	s11 =	sadd.s32 s2, s11  }
0x4f: {  	[hbm4b:s11+s4] =	stream.linear.scatter [tilespmem:s8], [sflag:$0x1], $0x10000, $0x38;
	[tilespmem:$0x13800] =	vst v63  }
0x50: {  	s10 =	sadd.s32 $0x1, s10;
	_ =	swait.ge [sflag:s7], $0x10000  }
0x51: {  	p0 =	sne.s32 s10, $0x32;
	[sflag:s7] =	ssyncset.done $0x0  }
.Ltmp1:
0x52: {  	s11 =	sadd.s32 $0x2000, s11;
	[sflag:s7] =	ssyncadd.s32 $0xFFFF0000;
	(pc) =	sbr.rel @p0 .LBB2_2-.Ltmp1, $4  }
0x53: {  	[hbm4b:s11+s4] =	stream.linear.scatter [tilespmem:s8], [sflag:$0x1], $0x10000, $0x38;
	[tilespmem:$0x13800] =	vst v63  }
0x54: {  	_ =	swait.ge [sflag:s7], $0x10000  }
0x55: {  	[sflag:s7] =	ssyncset.done $0x0  }
0x56: {  	[sflag:s7] =	ssyncadd.s32 $0xFFFF0000  }
0x57: {  	s9 =	sadd.s32 $0x1, s9  }
0x58: {  	p0 =	sne.s32 s9, s6  }
.Ltmp2:
0x59: {  	_ = 	snop;
	(pc) =	sbr.rel @p0 .LBB2_1-.Ltmp2, $1  }
0x5a: {  	_ =	sdelay $0x3  }
0x5b: {  	_ =	sfence.sel $0x180000  }
0x5c: {  	[bflag:$0x0] =	sbarrier.arrive $0xFFFF  }
0x5d: {  	p0 =	sne.s32 s3, $0x0;
	_ =	strace $0x90000047  }
0x5e: {  	s0 =	sadd.s32 @!p0 $0x100000, s0;
	[bflag:$0x2] =	sbarrier.arrive $0xFFFF  }
0x5f: {  	[sflag:s0] =	ssyncadd.tile.s32 @!p0 $0x1;
	_ =	shalt  }
.Lfunc_end2:
_tile_overlayer_lowered:
.L_overlay_start_2:
0x60: {  	(tag) =	ssettag $0x2  }
0x61: {  	s0 =	rddreg [dreg:$0x0];
	s2 =	stileid.u32  }
0x62: {  	s1 =	rddreg [dreg:$0x1];
	p0 =	sne.s32 s2, $0x0  }
0x63: {  	s3 =	rddreg [dreg:$0x2];
	[bflag:$0x3] =	sbarrier.arrive $0xFFFF;
	s2 =	simm.s32 @!p0 $0x1C01  }
0x64: {  	[timem:s3], [sflag:s2] =	dma.local @!p0 [hbm:s0], s1  }
0x65: {  	s0 =	simm.s32 @!p0 $0x1  }
0x66: {  	_ =	swait.ge @!p0 [sflag:s0], s1  }
0x67: {  	s1 =	ssub.s32 @!p0 $0x0, s1;
	[sflag:s0] =	ssyncset.done @!p0 $0x0  }
0x68: {  	[sflag:s0] =	ssyncadd.s32 @!p0 s1  }
0x69: {  	[bflag:$0x3] =	sbarrier.arrive $0xFFFF  }
0x6a: {  	_ =	shalt  }

</sc_bundles>
